<compile_context>
chip_gen: v7x
topology: tpu7x:2x2x1
jax: 0.10.2.dev20260603
libtpu: 0.0.44.dev20260713+nightly
codegen_flags: <defaults>
</compile_context>

<pallas_src>
import functools

import jax
import jax.numpy as jnp
from jax import lax
from jax.experimental import pallas as pl
from jax.experimental.pallas import tpu as pltpu
from jax.experimental.pallas import tpu_sc as plsc

_N = 100000
_D = 128
_G = 256
_B = 20000
_NB = _N // _B
_NW = 32
_RW = _N // _NW
_NV = -(-_RW // 16)
_RP = _NV * 16


def _gate_body(B, NB):
    def body(x_ref, wg_ref, gate_ref, gmax_ref, m_ref):
        i = pl.program_id(0)
        gateT = lax.dot_general(wg_ref[...], x_ref[...],
                                (((0,), (1,)), ((), ())),
                                preferred_element_type=jnp.float32)
        gate_ref[0] = gateT
        bm = jnp.max(gateT)

        @pl.when(i == 0)
        def _first():
            m_ref[0, 0] = bm

        @pl.when(i > 0)
        def _rest():
            m_ref[0, 0] = jnp.maximum(m_ref[0, 0], bm)

        @pl.when(i == NB - 1)
        def _fin():
            gmax_ref[...] = jnp.full((1, 128), m_ref[0, 0], jnp.float32)

    return body


def _gate_call(N, D, B):
    NB = N // B
    return pl.pallas_call(
        _gate_body(B, NB),
        grid=(NB,),
        in_specs=[
            pl.BlockSpec((B, D), lambda i: (i, 0)),
            pl.BlockSpec((D, 1), lambda i: (0, 0)),
        ],
        out_specs=[
            pl.BlockSpec((1, 1, B), lambda i: (i, 0, 0)),
            pl.BlockSpec((1, 128), lambda i: (0, 0)),
        ],
        out_shape=[
            jax.ShapeDtypeStruct((NB, 1, B), jnp.float32),
            jax.ShapeDtypeStruct((1, 128), jnp.float32),
        ],
        scratch_shapes=[pltpu.SMEM((1, 1), jnp.float32)],
    )


def _sc_mesh():
    return plsc.VectorSubcoreMesh(core_axis_name="c", subcore_axis_name="s")


def _make_denom_kernel():
    @functools.partial(
        pl.kernel,
        mesh=_sc_mesh(),
        out_type=jax.ShapeDtypeStruct((_NW, _G), jnp.float32),
        compiler_params=pltpu.CompilerParams(needs_layout_passes=False),
        scratch_types=[
            pltpu.VMEM((_RP,), jnp.float32),
            pltpu.VMEM((_RP,), jnp.int32),
            pltpu.VMEM((_G,), jnp.float32),
            pltpu.VMEM((16,), jnp.float32),
        ],
    )
    def denom(gate_hbm, seg_hbm, gmax_hbm, dpart_hbm, gbuf, sbuf, dloc, gv):
        wid = lax.axis_index("s") * 2 + lax.axis_index("c")
        pltpu.sync_copy(gate_hbm.at[wid], gbuf)
        pltpu.sync_copy(seg_hbm.at[wid], sbuf)
        pltpu.sync_copy(gmax_hbm.at[pl.ds(0, 16)], gv)
        for c in range(_G // 16):
            dloc[pl.ds(c * 16, 16)] = jnp.zeros((16,), jnp.float32)
        gmaxv = gv[...]

        def body(j, carry):
            off = j * 16
            e = jnp.exp(gbuf[pl.ds(off, 16)] - gmaxv)
            sg = sbuf[pl.ds(off, 16)]
            msk = (lax.iota(jnp.int32, 16) + off) < _RW
            plsc.addupdate_scatter(dloc, [sg], e, mask=msk)
            return carry

        lax.fori_loop(0, _NV, body, 0)
        pltpu.sync_copy(dloc, dpart_hbm.at[wid])

    return denom


def _pool_body(B, G, D, NB, NW):
    def body(x_ref, seg_ref, wg_ref, gmax_ref, dpart_ref, out_ref, acc_ref):
        i = pl.program_id(0)

        @pl.when(i == 0)
        def _init():
            acc_ref[...] = jnp.zeros((G, D), jnp.float32)

        x = x_ref[...]
        s = seg_ref[0]
        gateT = lax.dot_general(wg_ref[...], x, (((0,), (1,)), ((), ())),
                                preferred_element_type=jnp.float32)
        eT = jnp.exp(gateT - gmax_ref[0, 0])
        rows = lax.broadcasted_iota(jnp.int32, (G, B), 0)
        maskf = (rows == s).astype(jnp.float32)
        me = (maskf * eT).astype(jnp.bfloat16)
        contrib = lax.dot_general(me, x.astype(jnp.bfloat16),
                                  (((1,), (0,)), ((), ())),
                                  preferred_element_type=jnp.float32)
        acc_ref[...] = acc_ref[...] + contrib

        @pl.when(i == NB - 1)
        def _fin():
            ones_w = jnp.ones((NW, 1), jnp.float32)
            d = lax.dot_general(dpart_ref[...], ones_w,
                                (((0,), (0,)), ((), ())),
                                preferred_element_type=jnp.float32)
            recip = jnp.where(d > 0, jnp.float32(1.0) / d, jnp.float32(0.0))
            out_ref[...] = acc_ref[...] * recip

    return body


def _pool_call(N, D, G, B, NW):
    NB = N // B
    return pl.pallas_call(
        _pool_body(B, G, D, NB, NW),
        grid=(NB,),
        in_specs=[
            pl.BlockSpec((B, D), lambda i: (i, 0)),
            pl.BlockSpec((1, 1, B), lambda i: (i, 0, 0)),
            pl.BlockSpec((D, 1), lambda i: (0, 0)),
            pl.BlockSpec((1, 128), lambda i: (0, 0)),
            pl.BlockSpec((NW, G), lambda i: (0, 0)),
        ],
        out_specs=pl.BlockSpec((G, D), lambda i: (0, 0)),
        out_shape=jax.ShapeDtypeStruct((G, D), jnp.float32),
        scratch_shapes=[pltpu.VMEM((G, D), jnp.float32)],
    )


def kernel(features, segment_ids, Wg, bg):
    N, D = features.shape
    seg = segment_ids.astype(jnp.int32)

    gate, gmax = _gate_call(N, D, _B)(features, Wg)

    pad = ((0, 0), (0, _RP - _RW))
    gate_w = jnp.pad(gate.reshape(_NW, _RW), pad)
    seg_w = jnp.pad(seg.reshape(_NW, _RW), pad)
    gmax_v = gmax.reshape(128)

    dpart = _make_denom_kernel()(gate_w, seg_w, gmax_v)

    return _pool_call(N, D, _G, _B, _NW)(
        features, seg.reshape(_NB, 1, _B), Wg, gmax, dpart)

# --- scband reference (transcript-rebuilt; emitter-appended) ---
"""Pipeline reference for scband-attention-pool-layer-84129819394530 (READ-ONLY COPY).

The authoritative reference and input builder live on the scoring server;
editing this copy changes nothing except your own understanding.
"""

import jax, jax.numpy as jnp
import numpy as np

N = 100000   # total nodes in the batched graph
D = 128      # node feature dim (gate_nn_dims = [128, 1])
G = 256      # number of graphs in the batch


def setup_inputs(seed: int = 0) -> dict:
    key = jax.random.key(seed)
    k1, k2, k3 = jax.random.split(key, 3)
    features = jax.random.normal(k1, (N, D), dtype=jnp.float32)
    # segment_ids encode which graph each node belongs to (DGL batched graph g)
    segment_ids = jnp.sort(jax.random.randint(k2, (N,), 0, G, dtype=jnp.int64))
    # gate_nn: single Linear(128 -> 1) per gate_nn_dims=[128, 1]; feat_nn is None
    Wg = jax.random.normal(k3, (D, 1), dtype=jnp.float32) * (1.0 / np.sqrt(D))
    bg = jnp.zeros((1,), dtype=jnp.float32)
    return {"features": features, "segment_ids": segment_ids, "Wg": Wg, "bg": bg}


def reference(features, segment_ids, Wg, bg):
    # GlobalAttentionPooling:
    #   gate = gate_nn(feat)                      [N, 1]
    #   feat = feat_nn(feat) if feat_nn else feat [N, D] (feat_nn is None here)
    #   gate = softmax_nodes(g, gate)             per-graph softmax over nodes
    #   readout = sum_nodes(g, feat * gate)       [G, D]
    gate = features @ Wg + bg  # [N, 1]
    # numerically-stable per-graph softmax over nodes
    seg_max = jax.ops.segment_max(gate, segment_ids, num_segments=G)  # [G, 1]
    gate_shifted = gate - jax.lax.stop_gradient(seg_max[segment_ids])
    e = jnp.exp(gate_shifted)  # [N, 1]
    denom = jax.ops.segment_sum(e, segment_ids, num_segments=G)  # [G, 1]
    alpha = e / denom[segment_ids]  # [N, 1]
    readout = jax.ops.segment_sum(alpha * features, segment_ids, num_segments=G)  # [G, D]
    return readout

if __name__ == "__main__":
    import jax
    _d = setup_inputs()
    print(jax.jit(kernel)(*tuple(_d.values())))

</pallas_src>

<mosaic_0001>
#map = affine_map<(d0, d1) -> (0, 0)>
#map1 = affine_map<(d0, d1) -> (0)>
module attributes {stable_mosaic.version = 14 : i64} {
  func.func @denom(%arg0: i32, %arg1: i32, %arg2: memref<32x3136xf32, #tpu.memory_space<hbm>>, %arg3: memref<32x3136xi32, #tpu.memory_space<hbm>>, %arg4: memref<128xf32, #tpu.memory_space<hbm>>, %arg5: memref<32x256xf32, #tpu.memory_space<hbm>>, %arg6: memref<3136xf32, #tpu.memory_space<vmem>>, %arg7: memref<3136xi32, #tpu.memory_space<vmem>>, %arg8: memref<256xf32, #tpu.memory_space<vmem>>, %arg9: memref<16xf32, #tpu.memory_space<vmem>>) attributes {dimension_semantics = [#tpu.dimension_semantics<core_parallel>, #tpu.dimension_semantics<subcore_parallel>], iteration_bounds = array<i64: 2, 16>, scalar_prefetch = 0 : i64, scratch_operands = 4 : i64, tpu.core_type = #tpu.core_type<sc_vector_subcore>, window_params = [{transform_indices = #map}, {transform_indices = #map}, {transform_indices = #map1}, {transform_indices = #map}]} {
    %mul3A = arith.constant 2 : i32
    %mul3A_0 = arith.muli %arg1, %mul3A : i32
    %add3A = arith.addi %mul3A_0, %arg0 : i32
    "tpu.region"() ({
      %run_scoped3A = tpu.sem_alloc : memref<!tpu.dma_semaphore, #tpu.memory_space<semaphore_mem>>
      %dma_start3A = arith.constant 0 : i32
      %dma_start3A_69 = tpu.memref_slice %arg2[%add3A, %dma_start3A] : memref<32x3136xf32, #tpu.memory_space<hbm>> -> memref<1x3136xf32, #tpu.memory_space<hbm>>
      %dma_start3A_70 = tpu.memref_squeeze %dma_start3A_69 : memref<1x3136xf32, #tpu.memory_space<hbm>> -> memref<3136xf32, #tpu.memory_space<hbm>>
      %dma_start3A_71 = arith.constant 0 : i32
      %dma_start3A_72 = tpu.memref_slice %arg2[%add3A, %dma_start3A_71] : memref<32x3136xf32, #tpu.memory_space<hbm>> -> memref<1x3136xf32, #tpu.memory_space<hbm>>
      %dma_start3A_73 = tpu.memref_squeeze %dma_start3A_72 : memref<1x3136xf32, #tpu.memory_space<hbm>> -> memref<3136xf32, #tpu.memory_space<hbm>>
      tpu.enqueue_dma source(%dma_start3A_73 : memref<3136xf32, #tpu.memory_space<hbm>>) target(%arg6 : memref<3136xf32, #tpu.memory_space<vmem>>) target_semaphore(%run_scoped3A : memref<!tpu.dma_semaphore, #tpu.memory_space<semaphore_mem>>)
      %dma_wait3A = arith.constant 0 : i32
      %dma_wait3A_74 = tpu.memref_slice %arg2[%add3A, %dma_wait3A] : memref<32x3136xf32, #tpu.memory_space<hbm>> -> memref<1x3136xf32, #tpu.memory_space<hbm>>
      %dma_wait3A_75 = tpu.memref_squeeze %dma_wait3A_74 : memref<1x3136xf32, #tpu.memory_space<hbm>> -> memref<3136xf32, #tpu.memory_space<hbm>>
      %dma_wait3A_76 = arith.constant 0 : i32
      %dma_wait3A_77 = tpu.memref_slice %arg2[%add3A, %dma_wait3A_76] : memref<32x3136xf32, #tpu.memory_space<hbm>> -> memref<1x3136xf32, #tpu.memory_space<hbm>>
      %dma_wait3A_78 = tpu.memref_squeeze %dma_wait3A_77 : memref<1x3136xf32, #tpu.memory_space<hbm>> -> memref<3136xf32, #tpu.memory_space<hbm>>
      tpu.wait_dma2 semaphore(%run_scoped3A : memref<!tpu.dma_semaphore, #tpu.memory_space<semaphore_mem>>) src(%dma_wait3A_78 : memref<3136xf32, #tpu.memory_space<hbm>>) dst(%arg6 : memref<3136xf32, #tpu.memory_space<vmem>>)
      tpu.yield
    }) : () -> ()
    "tpu.region"() ({
      %run_scoped3A = tpu.sem_alloc : memref<!tpu.dma_semaphore, #tpu.memory_space<semaphore_mem>>
      %dma_start3A = arith.constant 0 : i32
      %dma_start3A_69 = tpu.memref_slice %arg3[%add3A, %dma_start3A] : memref<32x3136xi32, #tpu.memory_space<hbm>> -> memref<1x3136xi32, #tpu.memory_space<hbm>>
      %dma_start3A_70 = tpu.memref_squeeze %dma_start3A_69 : memref<1x3136xi32, #tpu.memory_space<hbm>> -> memref<3136xi32, #tpu.memory_space<hbm>>
      %dma_start3A_71 = arith.constant 0 : i32
      %dma_start3A_72 = tpu.memref_slice %arg3[%add3A, %dma_start3A_71] : memref<32x3136xi32, #tpu.memory_space<hbm>> -> memref<1x3136xi32, #tpu.memory_space<hbm>>
      %dma_start3A_73 = tpu.memref_squeeze %dma_start3A_72 : memref<1x3136xi32, #tpu.memory_space<hbm>> -> memref<3136xi32, #tpu.memory_space<hbm>>
      tpu.enqueue_dma source(%dma_start3A_73 : memref<3136xi32, #tpu.memory_space<hbm>>) target(%arg7 : memref<3136xi32, #tpu.memory_space<vmem>>) target_semaphore(%run_scoped3A : memref<!tpu.dma_semaphore, #tpu.memory_space<semaphore_mem>>)
      %dma_wait3A = arith.constant 0 : i32
      %dma_wait3A_74 = tpu.memref_slice %arg3[%add3A, %dma_wait3A] : memref<32x3136xi32, #tpu.memory_space<hbm>> -> memref<1x3136xi32, #tpu.memory_space<hbm>>
      %dma_wait3A_75 = tpu.memref_squeeze %dma_wait3A_74 : memref<1x3136xi32, #tpu.memory_space<hbm>> -> memref<3136xi32, #tpu.memory_space<hbm>>
      %dma_wait3A_76 = arith.constant 0 : i32
      %dma_wait3A_77 = tpu.memref_slice %arg3[%add3A, %dma_wait3A_76] : memref<32x3136xi32, #tpu.memory_space<hbm>> -> memref<1x3136xi32, #tpu.memory_space<hbm>>
      %dma_wait3A_78 = tpu.memref_squeeze %dma_wait3A_77 : memref<1x3136xi32, #tpu.memory_space<hbm>> -> memref<3136xi32, #tpu.memory_space<hbm>>
      tpu.wait_dma2 semaphore(%run_scoped3A : memref<!tpu.dma_semaphore, #tpu.memory_space<semaphore_mem>>) src(%dma_wait3A_78 : memref<3136xi32, #tpu.memory_space<hbm>>) dst(%arg7 : memref<3136xi32, #tpu.memory_space<vmem>>)
      tpu.yield
    }) : () -> ()
    "tpu.region"() ({
      %run_scoped3A = tpu.sem_alloc : memref<!tpu.dma_semaphore, #tpu.memory_space<semaphore_mem>>
      %dma_start3A = arith.constant 0 : i32
      %dma_start3A_69 = tpu.memref_slice %arg4[%dma_start3A] : memref<128xf32, #tpu.memory_space<hbm>> -> memref<16xf32, #tpu.memory_space<hbm>>
      %dma_start3A_70 = arith.constant 0 : i32
      %dma_start3A_71 = tpu.memref_slice %arg4[%dma_start3A_70] : memref<128xf32, #tpu.memory_space<hbm>> -> memref<16xf32, #tpu.memory_space<hbm>>
      tpu.enqueue_dma source(%dma_start3A_71 : memref<16xf32, #tpu.memory_space<hbm>>) target(%arg9 : memref<16xf32, #tpu.memory_space<vmem>>) target_semaphore(%run_scoped3A : memref<!tpu.dma_semaphore, #tpu.memory_space<semaphore_mem>>)
      %dma_wait3A = arith.constant 0 : i32
      %dma_wait3A_72 = tpu.memref_slice %arg4[%dma_wait3A] : memref<128xf32, #tpu.memory_space<hbm>> -> memref<16xf32, #tpu.memory_space<hbm>>
      %dma_wait3A_73 = arith.constant 0 : i32
      %dma_wait3A_74 = tpu.memref_slice %arg4[%dma_wait3A_73] : memref<128xf32, #tpu.memory_space<hbm>> -> memref<16xf32, #tpu.memory_space<hbm>>
      tpu.wait_dma2 semaphore(%run_scoped3A : memref<!tpu.dma_semaphore, #tpu.memory_space<semaphore_mem>>) src(%dma_wait3A_74 : memref<16xf32, #tpu.memory_space<hbm>>) dst(%arg9 : memref<16xf32, #tpu.memory_space<vmem>>)
      tpu.yield
    }) : () -> ()
    %broadcast_in_dim3A = arith.constant 0.000000e+00 : f32
    %broadcast_in_dim3A_1 = vector.broadcast %broadcast_in_dim3A : f32 to vector<16xf32>
    %swap3A = arith.constant 0 : index
    %swap3A_2 = tpu.vector_load %arg8[%swap3A] {strides = array<i32>} : memref<256xf32, #tpu.memory_space<vmem>>, vector<16xf32>,
    tpu.vector_store %arg8[%swap3A], %broadcast_in_dim3A_1 {strides = array<i32>} : memref<256xf32, #tpu.memory_space<vmem>>, vector<16xf32>,
    %broadcast_in_dim3A_3 = arith.constant 0.000000e+00 : f32
    %broadcast_in_dim3A_4 = vector.broadcast %broadcast_in_dim3A_3 : f32 to vector<16xf32>
    %swap3A_5 = arith.constant 16 : index
    %swap3A_6 = tpu.vector_load %arg8[%swap3A_5] {strides = array<i32>} : memref<256xf32, #tpu.memory_space<vmem>>, vector<16xf32>,
    tpu.vector_store %arg8[%swap3A_5], %broadcast_in_dim3A_4 {strides = array<i32>} : memref<256xf32, #tpu.memory_space<vmem>>, vector<16xf32>,
    %broadcast_in_dim3A_7 = arith.constant 0.000000e+00 : f32
    %broadcast_in_dim3A_8 = vector.broadcast %broadcast_in_dim3A_7 : f32 to vector<16xf32>
    %swap3A_9 = arith.constant 32 : index
    %swap3A_10 = tpu.vector_load %arg8[%swap3A_9] {strides = array<i32>} : memref<256xf32, #tpu.memory_space<vmem>>, vector<16xf32>,
    tpu.vector_store %arg8[%swap3A_9], %broadcast_in_dim3A_8 {strides = array<i32>} : memref<256xf32, #tpu.memory_space<vmem>>, vector<16xf32>,
    %broadcast_in_dim3A_11 = arith.constant 0.000000e+00 : f32
    %broadcast_in_dim3A_12 = vector.broadcast %broadcast_in_dim3A_11 : f32 to vector<16xf32>
    %swap3A_13 = arith.constant 48 : index
    %swap3A_14 = tpu.vector_load %arg8[%swap3A_13] {strides = array<i32>} : memref<256xf32, #tpu.memory_space<vmem>>, vector<16xf32>,
    tpu.vector_store %arg8[%swap3A_13], %broadcast_in_dim3A_12 {strides = array<i32>} : memref<256xf32, #tpu.memory_space<vmem>>, vector<16xf32>,
    %broadcast_in_dim3A_15 = arith.constant 0.000000e+00 : f32
    %broadcast_in_dim3A_16 = vector.broadcast %broadcast_in_dim3A_15 : f32 to vector<16xf32>
    %swap3A_17 = arith.constant 64 : index
    %swap3A_18 = tpu.vector_load %arg8[%swap3A_17] {strides = array<i32>} : memref<256xf32, #tpu.memory_space<vmem>>, vector<16xf32>,
    tpu.vector_store %arg8[%swap3A_17], %broadcast_in_dim3A_16 {strides = array<i32>} : memref<256xf32, #tpu.memory_space<vmem>>, vector<16xf32>,
    %broadcast_in_dim3A_19 = arith.constant 0.000000e+00 : f32
    %broadcast_in_dim3A_20 = vector.broadcast %broadcast_in_dim3A_19 : f32 to vector<16xf32>
    %swap3A_21 = arith.constant 80 : index
    %swap3A_22 = tpu.vector_load %arg8[%swap3A_21] {strides = array<i32>} : memref<256xf32, #tpu.memory_space<vmem>>, vector<16xf32>,
    tpu.vector_store %arg8[%swap3A_21], %broadcast_in_dim3A_20 {strides = array<i32>} : memref<256xf32, #tpu.memory_space<vmem>>, vector<16xf32>,
    %broadcast_in_dim3A_23 = arith.constant 0.000000e+00 : f32
    %broadcast_in_dim3A_24 = vector.broadcast %broadcast_in_dim3A_23 : f32 to vector<16xf32>
    %swap3A_25 = arith.constant 96 : index
    %swap3A_26 = tpu.vector_load %arg8[%swap3A_25] {strides = array<i32>} : memref<256xf32, #tpu.memory_space<vmem>>, vector<16xf32>,
    tpu.vector_store %arg8[%swap3A_25], %broadcast_in_dim3A_24 {strides = array<i32>} : memref<256xf32, #tpu.memory_space<vmem>>, vector<16xf32>,
    %broadcast_in_dim3A_27 = arith.constant 0.000000e+00 : f32
    %broadcast_in_dim3A_28 = vector.broadcast %broadcast_in_dim3A_27 : f32 to vector<16xf32>
    %swap3A_29 = arith.constant 112 : index
    %swap3A_30 = tpu.vector_load %arg8[%swap3A_29] {strides = array<i32>} : memref<256xf32, #tpu.memory_space<vmem>>, vector<16xf32>,
    tpu.vector_store %arg8[%swap3A_29], %broadcast_in_dim3A_28 {strides = array<i32>} : memref<256xf32, #tpu.memory_space<vmem>>, vector<16xf32>,
    %broadcast_in_dim3A_31 = arith.constant 0.000000e+00 : f32
    %broadcast_in_dim3A_32 = vector.broadcast %broadcast_in_dim3A_31 : f32 to vector<16xf32>
    %swap3A_33 = arith.constant 128 : index
    %swap3A_34 = tpu.vector_load %arg8[%swap3A_33] {strides = array<i32>} : memref<256xf32, #tpu.memory_space<vmem>>, vector<16xf32>,
    tpu.vector_store %arg8[%swap3A_33], %broadcast_in_dim3A_32 {strides = array<i32>} : memref<256xf32, #tpu.memory_space<vmem>>, vector<16xf32>,
    %broadcast_in_dim3A_35 = arith.constant 0.000000e+00 : f32
    %broadcast_in_dim3A_36 = vector.broadcast %broadcast_in_dim3A_35 : f32 to vector<16xf32>
    %swap3A_37 = arith.constant 144 : index
    %swap3A_38 = tpu.vector_load %arg8[%swap3A_37] {strides = array<i32>} : memref<256xf32, #tpu.memory_space<vmem>>, vector<16xf32>,
    tpu.vector_store %arg8[%swap3A_37], %broadcast_in_dim3A_36 {strides = array<i32>} : memref<256xf32, #tpu.memory_space<vmem>>, vector<16xf32>,
    %broadcast_in_dim3A_39 = arith.constant 0.000000e+00 : f32
    %broadcast_in_dim3A_40 = vector.broadcast %broadcast_in_dim3A_39 : f32 to vector<16xf32>
    %swap3A_41 = arith.constant 160 : index
    %swap3A_42 = tpu.vector_load %arg8[%swap3A_41] {strides = array<i32>} : memref<256xf32, #tpu.memory_space<vmem>>, vector<16xf32>,
    tpu.vector_store %arg8[%swap3A_41], %broadcast_in_dim3A_40 {strides = array<i32>} : memref<256xf32, #tpu.memory_space<vmem>>, vector<16xf32>,
    %broadcast_in_dim3A_43 = arith.constant 0.000000e+00 : f32
    %broadcast_in_dim3A_44 = vector.broadcast %broadcast_in_dim3A_43 : f32 to vector<16xf32>
    %swap3A_45 = arith.constant 176 : index
    %swap3A_46 = tpu.vector_load %arg8[%swap3A_45] {strides = array<i32>} : memref<256xf32, #tpu.memory_space<vmem>>, vector<16xf32>,
    tpu.vector_store %arg8[%swap3A_45], %broadcast_in_dim3A_44 {strides = array<i32>} : memref<256xf32, #tpu.memory_space<vmem>>, vector<16xf32>,
    %broadcast_in_dim3A_47 = arith.constant 0.000000e+00 : f32
    %broadcast_in_dim3A_48 = vector.broadcast %broadcast_in_dim3A_47 : f32 to vector<16xf32>
    %swap3A_49 = arith.constant 192 : index
    %swap3A_50 = tpu.vector_load %arg8[%swap3A_49] {strides = array<i32>} : memref<256xf32, #tpu.memory_space<vmem>>, vector<16xf32>,
    tpu.vector_store %arg8[%swap3A_49], %broadcast_in_dim3A_48 {strides = array<i32>} : memref<256xf32, #tpu.memory_space<vmem>>, vector<16xf32>,
    %broadcast_in_dim3A_51 = arith.constant 0.000000e+00 : f32
    %broadcast_in_dim3A_52 = vector.broadcast %broadcast_in_dim3A_51 : f32 to vector<16xf32>
    %swap3A_53 = arith.constant 208 : index
    %swap3A_54 = tpu.vector_load %arg8[%swap3A_53] {strides = array<i32>} : memref<256xf32, #tpu.memory_space<vmem>>, vector<16xf32>,
    tpu.vector_store %arg8[%swap3A_53], %broadcast_in_dim3A_52 {strides = array<i32>} : memref<256xf32, #tpu.memory_space<vmem>>, vector<16xf32>,
    %broadcast_in_dim3A_55 = arith.constant 0.000000e+00 : f32
    %broadcast_in_dim3A_56 = vector.broadcast %broadcast_in_dim3A_55 : f32 to vector<16xf32>
    %swap3A_57 = arith.constant 224 : index
    %swap3A_58 = tpu.vector_load %arg8[%swap3A_57] {strides = array<i32>} : memref<256xf32, #tpu.memory_space<vmem>>, vector<16xf32>,
    tpu.vector_store %arg8[%swap3A_57], %broadcast_in_dim3A_56 {strides = array<i32>} : memref<256xf32, #tpu.memory_space<vmem>>, vector<16xf32>,
    %broadcast_in_dim3A_59 = arith.constant 0.000000e+00 : f32
    %broadcast_in_dim3A_60 = vector.broadcast %broadcast_in_dim3A_59 : f32 to vector<16xf32>
    %swap3A_61 = arith.constant 240 : index
    %swap3A_62 = tpu.vector_load %arg8[%swap3A_61] {strides = array<i32>} : memref<256xf32, #tpu.memory_space<vmem>>, vector<16xf32>,
    tpu.vector_store %arg8[%swap3A_61], %broadcast_in_dim3A_60 {strides = array<i32>} : memref<256xf32, #tpu.memory_space<vmem>>, vector<16xf32>,
    %get3A = arith.constant 0 : index
    %get3A_63 = tpu.vector_load %arg9[%get3A] {strides = array<i32>} : memref<16xf32, #tpu.memory_space<vmem>>, vector<16xf32>,
    %scan3A = arith.constant 0 : i32
    %scan3A_64 = arith.constant 0 : i32
    %scan3A_65 = arith.constant 196 : i32
    %scan3A_66 = arith.addi %scan3A_64, %scan3A_65 : i32
    %scan3A_67 = arith.constant 1 : i32
    scf.for %scan3A_69 = %scan3A_64 to %scan3A_66 step %scan3A_67  : i32 {
      %mul3A_70 = arith.constant 16 : i32
      %mul3A_71 = arith.muli %scan3A_69, %mul3A_70 : i32
      %get3A_72 = arith.index_cast %mul3A_71 : i32 to index
      %get3A_73 = tpu.vector_load %arg6[%get3A_72] {strides = array<i32>} : memref<3136xf32, #tpu.memory_space<vmem>>, vector<16xf32>,
      %sub3A = arith.subf %get3A_73, %get3A_63 : vector<16xf32>
      %exp3A = math.exp %sub3A : vector<16xf32>
      %get3A_74 = arith.index_cast %mul3A_71 : i32 to index
      %get3A_75 = tpu.vector_load %arg7[%get3A_74] {strides = array<i32>} : memref<3136xi32, #tpu.memory_space<vmem>>, vector<16xi32>,
      %iota3A = tpu.iota {dimensions = array<i32: 0>} : vector<16xi32>
      %add3A_76 = vector.broadcast %mul3A_71 : i32 to vector<16xi32>
      %add3A_77 = arith.addi %iota3A, %add3A_76 : vector<16xi32>
      %lt3A = arith.constant 3125 : i32
      %lt3A_78 = vector.broadcast %lt3A : i32 to vector<16xi32>
      %lt3A_79 = arith.cmpi slt, %add3A_77, %lt3A_78 : vector<16xi32>
      tpu.vector_store_idx %arg8[%get3A_75], %exp3A masked %lt3A_79 {add = true} : memref<256xf32, #tpu.memory_space<vmem>>[vector<16xi32>], vector<16xf32>, vector<16xi1>
    }
    %scan3A_68 = arith.constant 196 : i32
    "tpu.region"() ({
      %run_scoped3A = tpu.sem_alloc : memref<!tpu.dma_semaphore, #tpu.memory_space<semaphore_mem>>
      %dma_start3A = arith.constant 0 : i32
      %dma_start3A_69 = tpu.memref_slice %arg5[%add3A, %dma_start3A] : memref<32x256xf32, #tpu.memory_space<hbm>> -> memref<1x256xf32, #tpu.memory_space<hbm>>
      %dma_start3A_70 = tpu.memref_squeeze %dma_start3A_69 : memref<1x256xf32, #tpu.memory_space<hbm>> -> memref<256xf32, #tpu.memory_space<hbm>>
      %dma_start3A_71 = arith.constant 0 : i32
      %dma_start3A_72 = tpu.memref_slice %arg5[%add3A, %dma_start3A_71] : memref<32x256xf32, #tpu.memory_space<hbm>> -> memref<1x256xf32, #tpu.memory_space<hbm>>
      %dma_start3A_73 = tpu.memref_squeeze %dma_start3A_72 : memref<1x256xf32, #tpu.memory_space<hbm>> -> memref<256xf32, #tpu.memory_space<hbm>>
      tpu.enqueue_dma source(%arg8 : memref<256xf32, #tpu.memory_space<vmem>>) target(%dma_start3A_73 : memref<256xf32, #tpu.memory_space<hbm>>) target_semaphore(%run_scoped3A : memref<!tpu.dma_semaphore, #tpu.memory_space<semaphore_mem>>)
      %dma_wait3A = arith.constant 0 : i32
      %dma_wait3A_74 = tpu.memref_slice %arg5[%add3A, %dma_wait3A] : memref<32x256xf32, #tpu.memory_space<hbm>> -> memref<1x256xf32, #tpu.memory_space<hbm>>
      %dma_wait3A_75 = tpu.memref_squeeze %dma_wait3A_74 : memref<1x256xf32, #tpu.memory_space<hbm>> -> memref<256xf32, #tpu.memory_space<hbm>>
      %dma_wait3A_76 = arith.constant 0 : i32
      %dma_wait3A_77 = tpu.memref_slice %arg5[%add3A, %dma_wait3A_76] : memref<32x256xf32, #tpu.memory_space<hbm>> -> memref<1x256xf32, #tpu.memory_space<hbm>>
      %dma_wait3A_78 = tpu.memref_squeeze %dma_wait3A_77 : memref<1x256xf32, #tpu.memory_space<hbm>> -> memref<256xf32, #tpu.memory_space<hbm>>
      tpu.wait_dma2 semaphore(%run_scoped3A : memref<!tpu.dma_semaphore, #tpu.memory_space<semaphore_mem>>) src(%arg8 : memref<256xf32, #tpu.memory_space<vmem>>) dst(%dma_wait3A_78 : memref<256xf32, #tpu.memory_space<hbm>>)
      tpu.yield
    }) : () -> ()
    return
  }
}

module attributes {stable_mosaic.version = 14 : i64} {
  func.func @body(%arg0: i32, %arg1: memref<20000x128xf32, #tpu.memory_space<vmem>>, %arg2: memref<128x1xf32, #tpu.memory_space<vmem>>, %arg3: memref<1x1x20000xf32, #tpu.memory_space<vmem>>, %arg4: memref<1x128xf32, #tpu.memory_space<vmem>>, %arg5: memref<1x1xf32, #tpu.memory_space<smem>>) attributes {dimension_semantics = [#tpu.dimension_semantics<arbitrary>], iteration_bounds = array<i64: 5>, scalar_prefetch = 0 : i64, scratch_operands = 1 : i64, tpu.core_type = #tpu.core_type<tc>, window_params = [{transform_indices = @transform_0, window_bounds = array<i64: 20000, 128>}, {pipeline_mode = #tpu.pipeline_mode<synchronous>, transform_indices = @transform_1, window_bounds = array<i64: 128, 1>}, {transform_indices = @transform_2, window_bounds = array<i64: 1, 1, 20000>}, {pipeline_mode = #tpu.pipeline_mode<synchronous>, transform_indices = @transform_3, window_bounds = array<i64: 1, 128>}]} {
    %get3A = arith.constant 0 : index
    %get3A_0 = arith.constant 0 : index
    %get3A_1 = vector.load %arg2[%get3A, %get3A_0] : memref<128x1xf32, #tpu.memory_space<vmem>>, vector<128x1xf32>
    %get3A_2 = arith.constant 0 : index
    %get3A_3 = arith.constant 0 : index
    %get3A_4 = vector.load %arg1[%get3A_2, %get3A_3] : memref<20000x128xf32, #tpu.memory_space<vmem>>, vector<20000x128xf32>
    %dot_general3A = arith.constant dense<0.000000e+00> : vector<1x20000xf32>
    %dot_general3A_5 = tpu.matmul %get3A_1, %get3A_4, %dot_general3A {dimension_numbers = #tpu.dot_dimension_numbers<[0], [1], [1], [0], [0, 1, 1, 0], [], []>, transpose_lhs_hint = false} : vector<128x1xf32>, vector<20000x128xf32>, vector<1x20000xf32> -> vector<1x20000xf32>
    %swap3A = arith.constant 0 : index
    %swap3A_6 = arith.constant 0 : index
    %swap3A_7 = arith.constant 0 : index
    %swap3A_8 = vector.load %arg3[%swap3A, %swap3A_6, %swap3A_7] : memref<1x1x20000xf32, #tpu.memory_space<vmem>>, vector<1x1x20000xf32>
    %swap3A_9 = vector.shape_cast %swap3A_8 : vector<1x1x20000xf32> to vector<1x20000xf32>
    %swap3A_10 = vector.shape_cast %dot_general3A_5 : vector<1x20000xf32> to vector<1x1x20000xf32>
    tpu.vector_store %arg3[%swap3A, %swap3A_6, %swap3A_7], %swap3A_10 {strides = array<i32>} : memref<1x1x20000xf32, #tpu.memory_space<vmem>>, vector<1x1x20000xf32>,
    %reduce_max3A = vector.shape_cast %dot_general3A_5 : vector<1x20000xf32> to vector<1x1x20000xf32>
    %reduce_max3A_11 = arith.constant dense<0xFF800000> : vector<1xf32>
    %reduce_max3A_12 = vector.multi_reduction <maximumf>, %reduce_max3A, %reduce_max3A_11 [1, 2] : vector<1x1x20000xf32> to vector<1xf32>
    %reduce_max3A_13 = vector.shape_cast %reduce_max3A_12 : vector<1xf32> to vector<1x1x1xf32>
    %reduce_max3A_14 = vector.extract %reduce_max3A_13[0, 0, 0] : f32 from vector<1x1x1xf32>
    %eq3A = arith.constant 0 : i32
    %eq3A_15 = arith.cmpi eq, %arg0, %eq3A : i32
    %convert_element_type3A = arith.extui %eq3A_15 : i1 to i32
    %cond3A = arith.constant 0 : i32
    %cond3A_16 = arith.cmpi ne, %convert_element_type3A, %cond3A : i32
    scf.if %cond3A_16 {
      %swap3A_26 = arith.constant 0 : index
      %swap3A_27 = arith.constant 0 : index
      %swap3A_28 = memref.load %arg5[%swap3A_26, %swap3A_27] : memref<1x1xf32, #tpu.memory_space<smem>>
      memref.store %reduce_max3A_14, %arg5[%swap3A_26, %swap3A_27] : memref<1x1xf32, #tpu.memory_space<smem>>
    } else {
    }
    %gt3A = arith.constant 0 : i32
    %gt3A_17 = arith.cmpi sgt, %arg0, %gt3A : i32
    %convert_element_type3A_18 = arith.extui %gt3A_17 : i1 to i32
    %cond3A_19 = arith.constant 0 : i32
    %cond3A_20 = arith.cmpi ne, %convert_element_type3A_18, %cond3A_19 : i32
    scf.if %cond3A_20 {
      %get3A_26 = arith.constant 0 : index
      %get3A_27 = arith.constant 0 : index
      %get3A_28 = memref.load %arg5[%get3A_26, %get3A_27] : memref<1x1xf32, #tpu.memory_space<smem>>
      %max3A = arith.maximumf %get3A_28, %reduce_max3A_14 : f32
      %swap3A_29 = arith.constant 0 : index
      %swap3A_30 = arith.constant 0 : index
      %swap3A_31 = memref.load %arg5[%swap3A_29, %swap3A_30] : memref<1x1xf32, #tpu.memory_space<smem>>
      memref.store %max3A, %arg5[%swap3A_29, %swap3A_30] : memref<1x1xf32, #tpu.memory_space<smem>>
    } else {
    }
    %eq3A_21 = arith.constant 4 : i32
    %eq3A_22 = arith.cmpi eq, %arg0, %eq3A_21 : i32
    %convert_element_type3A_23 = arith.extui %eq3A_22 : i1 to i32
    %cond3A_24 = arith.constant 0 : i32
    %cond3A_25 = arith.cmpi ne, %convert_element_type3A_23, %cond3A_24 : i32
    scf.if %cond3A_25 {
      %get3A_26 = arith.constant 0 : index
      %get3A_27 = arith.constant 0 : index
      %get3A_28 = memref.load %arg5[%get3A_26, %get3A_27] : memref<1x1xf32, #tpu.memory_space<smem>>
      %broadcast_in_dim3A = vector.broadcast %get3A_28 : f32 to vector<1x128xf32>
      %swap3A_29 = arith.constant 0 : index
      %swap3A_30 = arith.constant 0 : index
      %swap3A_31 = vector.load %arg4[%swap3A_29, %swap3A_30] : memref<1x128xf32, #tpu.memory_space<vmem>>, vector<1x128xf32>
      tpu.vector_store %arg4[%swap3A_29, %swap3A_30], %broadcast_in_dim3A {strides = array<i32>} : memref<1x128xf32, #tpu.memory_space<vmem>>, vector<1x128xf32>,
    } else {
    }
    return
  }
  func.func @transform_0(%arg0: i32) -> (i32, i32) {
    %c0_i32 = arith.constant 0 : i32
    %c0_i32_0 = arith.constant 0 : i32
    return %arg0, %c0_i32 : i32, i32
  }
  func.func @transform_1(%arg0: i32) -> (i32, i32) {
    %c0_i32 = arith.constant 0 : i32
    %c0_i32_0 = arith.constant 0 : i32
    %c0_i32_1 = arith.constant 0 : i32
    return %c0_i32, %c0_i32_0 : i32, i32
  }
  func.func @transform_2(%arg0: i32) -> (i32, i32, i32) {
    %c0_i32 = arith.constant 0 : i32
    %c0_i32_0 = arith.constant 0 : i32
    %c0_i32_1 = arith.constant 0 : i32
    return %arg0, %c0_i32, %c0_i32_0 : i32, i32, i32
  }
  func.func @transform_3(%arg0: i32) -> (i32, i32) {
    %c0_i32 = arith.constant 0 : i32
    %c0_i32_0 = arith.constant 0 : i32
    %c0_i32_1 = arith.constant 0 : i32
    return %c0_i32, %c0_i32_0 : i32, i32
  }
}

module attributes {stable_mosaic.version = 14 : i64} {
  func.func @body(%arg0: i32, %arg1: memref<20000x128xf32, #tpu.memory_space<vmem>>, %arg2: memref<1x1x20000xi32, #tpu.memory_space<vmem>>, %arg3: memref<128x1xf32, #tpu.memory_space<vmem>>, %arg4: memref<1x128xf32, #tpu.memory_space<vmem>>, %arg5: memref<32x256xf32, #tpu.memory_space<vmem>>, %arg6: memref<256x128xf32, #tpu.memory_space<vmem>>, %arg7: memref<256x128xf32, #tpu.memory_space<vmem>>) attributes {dimension_semantics = [#tpu.dimension_semantics<arbitrary>], iteration_bounds = array<i64: 5>, scalar_prefetch = 0 : i64, scratch_operands = 1 : i64, tpu.core_type = #tpu.core_type<tc>, window_params = [{transform_indices = @transform_0, window_bounds = array<i64: 20000, 128>}, {transform_indices = @transform_1, window_bounds = array<i64: 1, 1, 20000>}, {pipeline_mode = #tpu.pipeline_mode<synchronous>, transform_indices = @transform_2, window_bounds = array<i64: 128, 1>}, {pipeline_mode = #tpu.pipeline_mode<synchronous>, transform_indices = @transform_3, window_bounds = array<i64: 1, 128>}, {pipeline_mode = #tpu.pipeline_mode<synchronous>, transform_indices = @transform_4, window_bounds = array<i64: 32, 256>}, {pipeline_mode = #tpu.pipeline_mode<synchronous>, transform_indices = @transform_5, window_bounds = array<i64: 256, 128>}]} {
    %eq3A = arith.constant 0 : i32
    %eq3A_0 = arith.cmpi eq, %arg0, %eq3A : i32
    %convert_element_type3A = arith.extui %eq3A_0 : i1 to i32
    %cond3A = arith.constant 0 : i32
    %cond3A_1 = arith.cmpi ne, %convert_element_type3A, %cond3A : i32
    scf.if %cond3A_1 {
      %broadcast_in_dim3A = arith.constant 0.000000e+00 : f32
      %broadcast_in_dim3A_37 = vector.broadcast %broadcast_in_dim3A : f32 to vector<256x128xf32>
      %swap3A_38 = arith.constant 0 : index
      %swap3A_39 = arith.constant 0 : index
      %swap3A_40 = vector.load %arg7[%swap3A_38, %swap3A_39] : memref<256x128xf32, #tpu.memory_space<vmem>>, vector<256x128xf32>
      tpu.vector_store %arg7[%swap3A_38, %swap3A_39], %broadcast_in_dim3A_37 {strides = array<i32>} : memref<256x128xf32, #tpu.memory_space<vmem>>, vector<256x128xf32>,
    } else {
    }
    %get3A = arith.constant 0 : index
    %get3A_2 = arith.constant 0 : index
    %get3A_3 = vector.load %arg1[%get3A, %get3A_2] : memref<20000x128xf32, #tpu.memory_space<vmem>>, vector<20000x128xf32>
    %get3A_4 = arith.constant 0 : index
    %get3A_5 = arith.constant 0 : index
    %get3A_6 = arith.constant 0 : index
    %get3A_7 = vector.load %arg2[%get3A_4, %get3A_5, %get3A_6] : memref<1x1x20000xi32, #tpu.memory_space<vmem>>, vector<1x1x20000xi32>
    %get3A_8 = vector.shape_cast %get3A_7 : vector<1x1x20000xi32> to vector<1x20000xi32>
    %get3A_9 = arith.constant 0 : index
    %get3A_10 = arith.constant 0 : index
    %get3A_11 = vector.load %arg3[%get3A_9, %get3A_10] : memref<128x1xf32, #tpu.memory_space<vmem>>, vector<128x1xf32>
    %dot_general3A = arith.constant dense<0.000000e+00> : vector<1x20000xf32>
    %dot_general3A_12 = tpu.matmul %get3A_11, %get3A_3, %dot_general3A {dimension_numbers = #tpu.dot_dimension_numbers<[0], [1], [1], [0], [0, 1, 1, 0], [], []>, transpose_lhs_hint = false} : vector<128x1xf32>, vector<20000x128xf32>, vector<1x20000xf32> -> vector<1x20000xf32>
    %get3A_13 = arith.constant 0 : index
    %get3A_14 = arith.constant 0 : index
    %get3A_15 = vector.load %arg4[%get3A_13, %get3A_14] : memref<1x128xf32, #tpu.memory_space<vmem>>, vector<1x1xf32>
    %get3A_16 = vector.extract %get3A_15[0, 0] : f32 from vector<1x1xf32>
    %sub3A = vector.broadcast %get3A_16 : f32 to vector<1x20000xf32>
    %sub3A_17 = arith.subf %dot_general3A_12, %sub3A : vector<1x20000xf32>
    %exp3A = math.exp %sub3A_17 : vector<1x20000xf32>
    %iota3A = tpu.iota {dimensions = array<i32: 0>} : vector<256x20000xi32>
    %eq3A_18 = vector.broadcast %get3A_8 : vector<1x20000xi32> to vector<256x20000xi32>
    %eq3A_19 = arith.cmpi eq, %iota3A, %eq3A_18 : vector<256x20000xi32>
    %convert_element_type3A_20 = arith.extui %eq3A_19 : vector<256x20000xi1> to vector<256x20000xi32>
    %convert_element_type3A_21 = arith.sitofp %convert_element_type3A_20 : vector<256x20000xi32> to vector<256x20000xf32>
    %mul3A = vector.broadcast %exp3A : vector<1x20000xf32> to vector<256x20000xf32>
    %mul3A_22 = arith.mulf %convert_element_type3A_21, %mul3A : vector<256x20000xf32>
    %convert_element_type3A_23 = arith.truncf %mul3A_22 : vector<256x20000xf32> to vector<256x20000xbf16>
    %convert_element_type3A_24 = arith.truncf %get3A_3 : vector<20000x128xf32> to vector<20000x128xbf16>
    %dot_general3A_25 = arith.constant dense<0.000000e+00> : vector<256x128xf32>
    %dot_general3A_26 = tpu.matmul %convert_element_type3A_23, %convert_element_type3A_24, %dot_general3A_25 {dimension_numbers = #tpu.dot_dimension_numbers<[1], [0], [0], [1], [0, 0, 1, 1], [], []>, transpose_lhs_hint = false} : vector<256x20000xbf16>, vector<20000x128xbf16>, vector<256x128xf32> -> vector<256x128xf32>
    %get3A_27 = arith.constant 0 : index
    %get3A_28 = arith.constant 0 : index
    %get3A_29 = vector.load %arg7[%get3A_27, %get3A_28] : memref<256x128xf32, #tpu.memory_space<vmem>>, vector<256x128xf32>
    %add3A = arith.addf %get3A_29, %dot_general3A_26 : vector<256x128xf32>
    %swap3A = arith.constant 0 : index
    %swap3A_30 = arith.constant 0 : index
    %swap3A_31 = vector.load %arg7[%swap3A, %swap3A_30] : memref<256x128xf32, #tpu.memory_space<vmem>>, vector<256x128xf32>
    tpu.vector_store %arg7[%swap3A, %swap3A_30], %add3A {strides = array<i32>} : memref<256x128xf32, #tpu.memory_space<vmem>>, vector<256x128xf32>,
    %eq3A_32 = arith.constant 4 : i32
    %eq3A_33 = arith.cmpi eq, %arg0, %eq3A_32 : i32
    %convert_element_type3A_34 = arith.extui %eq3A_33 : i1 to i32
    %cond3A_35 = arith.constant 0 : i32
    %cond3A_36 = arith.cmpi ne, %convert_element_type3A_34, %cond3A_35 : i32
    scf.if %cond3A_36 {
      %broadcast_in_dim3A = arith.constant 1.000000e+00 : f32
      %broadcast_in_dim3A_37 = vector.broadcast %broadcast_in_dim3A : f32 to vector<32x1xf32>
      %get3A_38 = arith.constant 0 : index
      %get3A_39 = arith.constant 0 : index
      %get3A_40 = vector.load %arg5[%get3A_38, %get3A_39] : memref<32x256xf32, #tpu.memory_space<vmem>>, vector<32x256xf32>
      %dot_general3A_41 = arith.constant dense<0.000000e+00> : vector<256x1xf32>
      %dot_general3A_42 = tpu.matmul %get3A_40, %broadcast_in_dim3A_37, %dot_general3A_41 {dimension_numbers = #tpu.dot_dimension_numbers<[0], [0], [1], [1], [0, 1, 1, 1], [], []>, transpose_lhs_hint = false} : vector<32x256xf32>, vector<32x1xf32>, vector<256x1xf32> -> vector<256x1xf32>
      %gt3A = arith.constant 0.000000e+00 : f32
      %gt3A_43 = vector.broadcast %gt3A : f32 to vector<256x1xf32>
      %gt3A_44 = arith.cmpf ogt, %dot_general3A_42, %gt3A_43 : vector<256x1xf32>
      %div3A = arith.constant 1.000000e+00 : f32
      %div3A_45 = vector.broadcast %div3A : f32 to vector<256x1xf32>
      %div3A_46 = arith.divf %div3A_45, %dot_general3A_42 : vector<256x1xf32>
      %jit3A = arith.constant 0.000000e+00 : f32
      %broadcast_in_dim3A_47 = vector.broadcast %jit3A : f32 to vector<256x1xf32>
      %select_n3A = arith.select %gt3A_44, %div3A_46, %broadcast_in_dim3A_47 : vector<256x1xi1>, vector<256x1xf32>
      %get3A_48 = arith.constant 0 : index
      %get3A_49 = arith.constant 0 : index
      %get3A_50 = vector.load %arg7[%get3A_48, %get3A_49] : memref<256x128xf32, #tpu.memory_space<vmem>>, vector<256x128xf32>
      %mul3A_51 = vector.broadcast %select_n3A : vector<256x1xf32> to vector<256x128xf32>
      %mul3A_52 = arith.mulf %get3A_50, %mul3A_51 : vector<256x128xf32>
      %swap3A_53 = arith.constant 0 : index
      %swap3A_54 = arith.constant 0 : index
      %swap3A_55 = vector.load %arg6[%swap3A_53, %swap3A_54] : memref<256x128xf32, #tpu.memory_space<vmem>>, vector<256x128xf32>
      tpu.vector_store %arg6[%swap3A_53, %swap3A_54], %mul3A_52 {strides = array<i32>} : memref<256x128xf32, #tpu.memory_space<vmem>>, vector<256x128xf32>,
    } else {
    }
    return
  }
  func.func @transform_0(%arg0: i32) -> (i32, i32) {
    %c0_i32 = arith.constant 0 : i32
    %c0_i32_0 = arith.constant 0 : i32
    return %arg0, %c0_i32 : i32, i32
  }
  func.func @transform_1(%arg0: i32) -> (i32, i32, i32) {
    %c0_i32 = arith.constant 0 : i32
    %c0_i32_0 = arith.constant 0 : i32
    %c0_i32_1 = arith.constant 0 : i32
    return %arg0, %c0_i32, %c0_i32_0 : i32, i32, i32
  }
  func.func @transform_2(%arg0: i32) -> (i32, i32) {
    %c0_i32 = arith.constant 0 : i32
    %c0_i32_0 = arith.constant 0 : i32
    %c0_i32_1 = arith.constant 0 : i32
    return %c0_i32, %c0_i32_0 : i32, i32
  }
  func.func @transform_3(%arg0: i32) -> (i32, i32) {
    %c0_i32 = arith.constant 0 : i32
    %c0_i32_0 = arith.constant 0 : i32
    %c0_i32_1 = arith.constant 0 : i32
    return %c0_i32, %c0_i32_0 : i32, i32
  }
  func.func @transform_4(%arg0: i32) -> (i32, i32) {
    %c0_i32 = arith.constant 0 : i32
    %c0_i32_0 = arith.constant 0 : i32
    %c0_i32_1 = arith.constant 0 : i32
    return %c0_i32, %c0_i32_0 : i32, i32
  }
  func.func @transform_5(%arg0: i32) -> (i32, i32) {
    %c0_i32 = arith.constant 0 : i32
    %c0_i32_0 = arith.constant 0 : i32
    %c0_i32_1 = arith.constant 0 : i32
    return %c0_i32, %c0_i32_0 : i32, i32
  }
}

</mosaic_0001>

<sc_bundles>
// kernel: kernel.5.cloned.1.call-start
scs
__scs_entry_jumppad:
0x0: {  	(pc) =	sbr.rel $0x88, $3  }
0x1: {  	(tag) =	ssettag $0x0;
	lr =	simm.s32 $0x1  }
0x2: {  	[smem:$0x3F9E] =	sst lr;
	_ =	strace $0xD0000000  }
0x3: {  	_ = 	snop  }
0x4: {  	_ = 	snop  }
0x5: {  	_ = 	snop  }
0x6: {  	_ = 	snop  }
0x7: {  	_ = 	snop  }
__scs_overlays_trampoline_lowered:
0x8: {  	[smem:$0x3FAD] =	sst s0  }
0x9: {  	[smem:$0x3FAE] =	sst s1  }
0xa: {  	[smem:$0x3FAF] =	sst s2  }
0xb: {  	[smem:$0x3FB0] =	sst s3  }
0xc: {  	[smem:$0x3FB1] =	sst s4  }
0xd: {  	[smem:$0x3FB2] =	sst s5  }
0xe: {  	[smem:$0x3FB3] =	sst s6  }
0xf: {  	[smem:$0x3FB4] =	sst s7  }
0x10: {  	[smem:$0x3FB5] =	sst s8  }
0x11: {  	[smem:$0x3FB6] =	sst s9;
	s0 =	simm.s32 @!p0 $0x0  }
0x12: {  	s1 =	sld [smem:$0x3F9C];
	s0 =	simm.s32 @p0 $0x1  }
0x13: {  	[smem:$0x3FB7] =	sst s0;
	s0 =	simm.s32 @!p1 $0x0  }
0x14: {  	s2 =	sld [smem:$0x3F9B];
	s0 =	simm.s32 @p1 $0x1  }
0x15: {  	[smem:$0x3FB8] =	sst s0;
	s0 =	simm.s32 @!p2 $0x0  }
0x16: {  	s3 =	sld [smem:$0x3FDB];
	s0 =	simm.s32 @p2 $0x1  }
0x17: {  	s4 =	simm.s32 $0x1BF5;
	[smem:$0x3FBA] =	sst s0  }
0x18: {  	s0 =	sld [smem:$0x3F9D];
	_ =	swait.ge [sflag:s4], $0x0  }
0x19: {  	s7 =	sld [smem:$0x3F9E]  }
0x1a: {  	s8 =	sadd.s32 $0xFFFFE003, lr  }
0x1b: {  	s9 =	sadd.s32 $0xFFFFFEF7, lr;
	s5 =	simm.s32 $0xFFFFFFFF;
	p2 =	slt.u32 s8, $0xFFFFF086  }
0x1c: {  	p1 =	slt.u32 s9, $0xF7A;
	s5 =	simm.s32 @!p2 $0x0  }
0x1d: {  	s5 =	simm.s32 @p1 $0x1;
	p0 =	seq.s32 s7, s2  }
0x1e: {  	s7 =	smul.u32 @!p0 $0xF7A, s2;
	p2 =	seq.s32 @!p0 s5, $0x0  }
0x1f: {  	s9 =	smul.u32 $0xF7A, s1;
	s8 =	simm.s32 @!p0 $0x1BF5;
	p2 =	por !p2, p0  }
0x20: {  	[sflag:s8] =	ssyncset.s32 @!p0 $0xFFFFF086;
	s6 =	sadd.s32 @!p0 s3, s7;
	s7 =	simm.s32 @!p0 $0x108  }
0x21: {  	s3 =	sadd.s32 s3, s9;
	s6 =	sadd.s32 @!p0 $0x88, s6;
	s7 =	simm.s32 @p2 $0x1082  }
0x22: {  	[simem:s7], [sflag:s8] =	dma.local @!p0 [hbm:s6], $0xF7A  }
0x23: {  	s9 =	sor.u32 $0xD0000000, s2;
	s6 =	simm.s32 $0x108;
	_ =	swait.ge @!p0 [sflag:s8], $0x0  }
0x24: {  	s3 =	sadd.s32 $0x88, s3;
	s6 =	simm.s32 @!p1 $0x1082;
	[sflag:s4] =	ssyncset.s32 $0xFFFFF086  }
0x25: {  	[simem:s6], [sflag:s4] =	dma.local [hbm:s3], $0xF7A  }
0x26: {  	[smem:$0x3F9E] =	sst s1;
	(tag) =	ssettag s2;
	_ =	strace s9  }
0x27: {  	s1 =	sld [smem:$0x3FAE]  }
0x28: {  	s2 =	sld [smem:$0x3FAF]  }
0x29: {  	s4 =	sld [smem:$0x3FB1]  }
0x2a: {  	p0 =	seq.s32 s5, $0x0;
	s5 =	sld [smem:$0x3FB2]  }
0x2b: {  	s6 =	sld [smem:$0x3FB3]  }
0x2c: {  	s7 =	sld [smem:$0x3FB4]  }
0x2d: {  	s3 =	simm.s32 $0x108;
	s8 =	sld [smem:$0x3FB5]  }
0x2e: {  	s3 =	simm.s32 @!p0 $0x1082;
	s9 =	sld [smem:$0x3FB6]  }
0x2f: {  	lr =	sadd.s32 s0, s3;
	s0 =	sld [smem:$0x3FAD]  }
0x30: {  	s3 =	sld [smem:$0x3FB0]  }
0x31: {  	[smem:$0x3FB9] =	sst s10  }
0x32: {  	s10 =	sld [smem:$0x3FB7];
	_ =	sdelay $0x3  }
0x33: {  	p0 =	seq.s32 s10, $0x1;
	s10 =	sld [smem:$0x3FB9];
	_ =	sdelay $0x3  }
0x34: {  	[smem:$0x3FB9] =	sst s10  }
0x35: {  	s10 =	sld [smem:$0x3FB8];
	_ =	sdelay $0x3  }
0x36: {  	p1 =	seq.s32 s10, $0x1;
	s10 =	sld [smem:$0x3FB9];
	_ =	sdelay $0x3  }
0x37: {  	[smem:$0x3FB9] =	sst s10  }
0x38: {  	s10 =	sld [smem:$0x3FBA]  }
0x39: {  	_ = 	snop;
	(pc) =	sbr.ind lr, $3  }
0x3a: {  	_ = 	snop  }
0x3b: {  	_ = 	snop  }
0x3c: {  	p2 =	seq.s32 s10, $0x1;
	s10 =	sld [smem:$0x3FB9]  }
0x3d: {  	_ =	shalt  }
0x3e: {  	_ =	shalt  }
0x3f: {  	_ =	shalt  }
0x40: {  	_ =	shalt  }
0x41: {  	_ =	shalt  }
0x42: {  	_ =	shalt  }
0x43: {  	_ =	shalt  }
0x44: {  	_ =	shalt  }
0x45: {  	_ =	shalt  }
0x46: {  	_ =	shalt  }
0x47: {  	_ =	shalt  }
0x48: {  	_ =	shalt  }
0x49: {  	_ =	shalt  }
0x4a: {  	_ =	shalt  }
0x4b: {  	_ =	shalt  }
0x4c: {  	_ =	shalt  }
0x4d: {  	_ =	shalt  }
0x4e: {  	_ =	shalt  }
0x4f: {  	_ =	shalt  }
0x50: {  	_ =	shalt  }
0x51: {  	_ =	shalt  }
0x52: {  	_ =	shalt  }
0x53: {  	_ =	shalt  }
0x54: {  	_ =	shalt  }
0x55: {  	_ =	shalt  }
0x56: {  	_ =	shalt  }
0x57: {  	_ =	shalt  }
0x58: {  	_ =	shalt  }
0x59: {  	_ =	shalt  }
0x5a: {  	_ =	shalt  }
0x5b: {  	_ =	shalt  }
0x5c: {  	_ =	shalt  }
0x5d: {  	_ =	shalt  }
0x5e: {  	_ =	shalt  }
0x5f: {  	_ =	shalt  }
0x60: {  	_ =	shalt  }
0x61: {  	_ =	shalt  }
0x62: {  	_ =	shalt  }
0x63: {  	_ =	shalt  }
0x64: {  	_ =	shalt  }
0x65: {  	_ =	shalt  }
0x66: {  	_ =	shalt  }
0x67: {  	_ =	shalt  }
0x68: {  	_ =	shalt  }
0x69: {  	_ =	shalt  }
0x6a: {  	_ =	shalt  }
0x6b: {  	_ =	shalt  }
0x6c: {  	_ =	shalt  }
0x6d: {  	_ =	shalt  }
0x6e: {  	_ =	shalt  }
0x6f: {  	_ =	shalt  }
0x70: {  	_ =	shalt  }
0x71: {  	_ =	shalt  }
0x72: {  	_ =	shalt  }
0x73: {  	_ =	shalt  }
0x74: {  	_ =	shalt  }
0x75: {  	_ =	shalt  }
0x76: {  	_ =	shalt  }
0x77: {  	_ =	shalt  }
0x78: {  	_ =	shalt  }
0x79: {  	_ =	shalt  }
0x7a: {  	_ =	shalt  }
0x7b: {  	_ =	shalt  }
0x7c: {  	_ =	shalt  }
0x7d: {  	_ =	shalt  }
0x7e: {  	_ =	shalt  }
0x7f: {  	_ =	shalt  }
0x80: {  	_ =	shalt  }
0x81: {  	_ =	shalt  }
0x82: {  	_ =	shalt  }
0x83: {  	_ =	shalt  }
0x84: {  	_ =	shalt  }
0x85: {  	_ =	shalt  }
0x86: {  	_ =	shalt  }
0x87: {  	_ =	shalt  }
.Lfunc_end0:
.L_simem_size_0:
called_computation_lowered:
.L_overlay_start_0:
0x88: {  	s2 =	sld [smem:$0x3FD9]  }
0x89: {  	s3 =	sld [smem:$0x3FFE];
	_ =	sdelay $0x1  }
0x8a: {  	s1 =	srdreg.scid  }
0x8b: {  	s0 =	sand.u32 $0x1, s1  }
0x8c: {  	s17 =	sshll.u32 s0, $0xA;
	s2 =	sadd.s32 s3, s2  }
0x8d: {  	s2 =	sadd.s32 s2, s17  }
0x8e: {  	[smem:$0x3FC5] =	sst s2  }
0x8f: {  	_ = 	snop  }
0x90: {  	s2 =	sld [smem:$0x3FD0];
	(tm) =	ssettm $0x1  }
0x91: {  	s18 =	sld [smem:$0x3FFB];
	_ =	sdelay $0x3  }
0x92: {  	_ =	strace s18  }
0x93: {  	s3 =	sld [smem:$0x3FFC];
	_ =	sdelay $0x3  }
0x94: {  	_ =	strace s3  }
0x95: {  	s3 =	sld [smem:$0x3FFD];
	_ =	sdelay $0x3  }
0x96: {  	_ =	strace s3  }
0x97: {  	_ =	strace $0x8FFFFFFF  }
0x98: {  	s19 =	sld [smem:$0x3FDB];
	_ =	sdelay $0x1  }
0x99: {  	s4 =	simm.s32 $_scs_section_size  }
0x9a: {  	s5 =	simm.s32 $_size__tile_overlayer_lowered;
	s6 =	simm.s32 $_tile_overlayer_lowered  }
0x9b: {  	s22 =	simm.s32 $0x1BFF;
	s21 =	sshll.u32 s6, $0x1;
	s3 =	sadd.s32 s4, s19  }
0x9c: {  	s7 =	simm.s32 $0x0;
	s20 =	sshll.u32 s5, $0x1;
	s5 =	sadd.s32 s21, s3  }
0x9d: {  	[timem:s7], [sflag:s22] =	dma.local [hbm:s5], s20  }
0x9e: {  	_ =	swait.ge [sflag:s22], s20  }
0x9f: {  	s4 =	ssub.s32 $0x0, s20;
	[sflag:s22] =	ssyncset.done $0x0  }
0xa0: {  	[sflag:s22] =	ssyncadd.s32 s4;
	_ =	sdelay $0x1  }
0xa1: {  	s23 =	simm.s32 $0x1B8B  }
0xa2: {  	_ =	swait.ge [sflag:s23], $0x1  }
0xa3: {  	[sflag:s23] =	ssyncset.done $0x0  }
0xa4: {  	s25 =	simm.s32 $0x1B8E;
	s24 =	sld [smem:$0x3FFE];
	[sflag:s23] =	ssyncadd.s32 $0xFFFFFFFF  }
0xa5: {  	s26 =	simm.s32 $execute0_lowered;
	[smem:$0x3FD2] =	sst s25  }
0xa6: {  	s5 =	sshll.u32 s26, $0x1;
	_ =	strace $0x80000046;
	[dreg:$0x1] =	wrdreg $0xFFFFFFFF  }
0xa7: {  	s28 =	simm.s32 $_size_execute0_lowered;
	s3 =	sadd.s32 s3, s5;
	[dreg:$0x0] =	wrdreg $0x0  }
0xa8: {  	s5 =	sshll.u32 s28, $0x1;
	[dreg:$0x2] =	wrdreg s3  }
0xa9: {  	[dreg:$0x3] =	wrdreg s5  }
0xaa: {  	[dreg:$0x4] =	wrdreg $0xC0  }
0xab: {  	_ =	task [dreg:s7], $0x5FFFF  }
0xac: {  	[dreg:$0x1] =	wrdreg $0xFFFFFFFF  }
0xad: {  	[dreg:$0x0] =	wrdreg $0x60  }
0xae: {  	[dreg:$0x2] =	wrdreg s24  }
0xaf: {  	[dreg:$0x3] =	wrdreg s2  }
0xb0: {  	[dreg:$0x4] =	wrdreg $0x9  }
0xb1: {  	_ =	task.clear_ibuf [dreg:s7], $0x5FFFF;
	_ =	strace $0x90000046  }
0xb2: {  	s29 =	simm.s32 $0x9;
	_ =	strace $0x80000048  }
0xb3: {  	_ =	swait.ge [sflag:s29], $0x1  }
0xb4: {  	[sflag:s29] =	ssyncadd.s32 $0xFFFFFFFF  }
0xb5: {  	_ =	strace $0x90000048  }
0xb6: {  	_ =	sfence  }
0xb7: {  	s30 =	sld [smem:$0x0];
	_ =	sdelay $0x2  }
0xb8: {  	s31 =	sshll.u32 s1, $0xD;
	s1 =	sshrl.u32 s1, $0x2  }
0xb9: {  	s3 =	sand.u32 $0x4000, s31;
	s1 =	sadd.s32 s1, s30  }
0xba: {  	s0 =	sor.u32 s3, s0;
	s1 =	sshll.u32 s1, $0x11  }
0xbb: {  	s0 =	sor.u32 s1, s0  }
0xbc: {  	s0 =	sadd.s32 $0x8F2B, s0  }
0xbd: {  	[sflag:s0] =	ssyncadd.remote.s32 $0x1  }
0xbe: {  	_ =	sfence.sel $0xFFFF  }
0xbf: {  	[dreg:$0x0] =	wrdreg $0xFFFFFFFF;
	(pc) =	sbr.abs _section_cstart, $3  }
0xc0: {  	[dreg:$0x1] =	wrdreg $0xFFFFFFFF  }
0xc1: {  	_ =	task.clear_ibuf [dreg:s7], $0x2FFFF;
	_ =	strace $0x9FFFFFFF  }
0xc2: {  	(tm) =	ssettm $0x7FFFFFFF  }
0xc3: {  	_ =	shalt  }
tec
execute0_lowered:
.L_overlay_start_1:
0x0: {  	(tag) =	ssettag $0x1  }
0x1: {  	s3 =	rddreg [dreg:$0x0]  }
0x2: {  	s6 =	rddreg [dreg:$0x1]  }
0x3: {  	s1 =	srdreg.scid;
	s0 =	stileid.u32;
	s2 =	simm.s32 $0x0  }
0x4: {  	s10 =	simm.s32 $0x1;
	s11 =	simm.s32 $0x1A00;
	s12 =	simm.s32 $0x1900  }
0x5: {  	s13 =	simm.s32 $0x0;
	s4 =	sand.u32 $0x1, s1;
	s1 =	rddreg [dreg:$0x2]  }
0x6: {  	s5 =	sshrl.u32 s0, $0x2;
	s28 =	sshll.u32 s0, $0x8;
	[smem:$0x7FF] =	sst s2  }
0x7: {  	s7 =	sshll.u32 s4, $0x7;
	s8 =	sand.u32 $0x300, s28;
	s9 =	smul.u32 $0x6400, s5  }
0x8: {  	_ =	strace $0x80000047;
	s4 =	ssub.s32 $0x2, s4;
	s7 =	sor.u32 s7, s8  }
0x9: {  	s5 =	sshll.u32 s5, $0xB;
	s29 =	sshrl.u32 s4, $0x1;
	s8 =	sor.u32 s9, s7  }
0xa: {  	v0 =	vlaneseq.u32;
	s5 =	sor.u32 s5, s7;
	s30 =	ssub.s32 s4, s29;
	s9 =	simm.s32 $0x400  }
0xb: {  	v1 =	vmul.u32 $0xFFFFFFFF, v0;
	s8 =	sshrl.u32 s8, $0x3;
	s31 =	sshrl.u32 s5, $0x3;
	s7 =	smax.u32 s30, $0x1  }
0xc: {  	s8 =	sadd.s32 s8, s3;
	s3 =	sadd.s32 $0xA00, s3;
	s6 =	sadd.s32 s6, s31  }
0xd: {  	v0 =	vimm.f32 $0.0e+00;
	v1 =	vadd.s32 $0xC35, v1;
	s4 =	sadd.s32 $0xC00, s8;
	s5 =	sadd.s32 $0x3E00, s8;
	s8 =	simm.s32 $0x80  }
.LBB2_1:
0xe: {  	[tilespmem:s2], [sflag:$0x1] =	stream.strided.gather [hbm4b:s4+s8], $0xC80, s9, s8, $0x38;
	[tilespmem:$0x1A80] =	vst v63  }
0xf: {  	_ =	swait.ge [sflag:s10], $0xC80  }
0x10: {  	[sflag:s10] =	ssyncset.done $0x0  }
0x11: {  	s14 =	simm.s32 $0xC80;
	[sflag:s10] =	ssyncadd.s32 $0xFFFFF380  }
0x12: {  	[tilespmem:s14], [sflag:$0x1] =	stream.strided.gather [hbm4b:s5+s8], $0xC80, s9, s8, $0x38;
	[tilespmem:$0x1A80] =	vst v63  }
0x13: {  	_ =	swait.ge [sflag:s10], $0xC80  }
0x14: {  	[sflag:s10] =	ssyncset.done $0x0  }
0x15: {  	[sflag:s10] =	ssyncadd.s32 $0xFFFFF380  }
0x16: {  	[tilespmem:s11], [sflag:$0x1] =	stream.linear.gather [hbm4b:s3+s2], $0x10, $0x38;
	[tilespmem:$0x1A80] =	vst v63  }
0x17: {  	_ =	swait.ge [sflag:s10], $0x10  }
0x18: {  	[sflag:s10] =	ssyncset.done $0x0  }
0x19: {  	[sflag:s10] =	ssyncadd.s32 $0xFFFFFFF0  }
0x1a: {  	[tilespmem:$0x1900] =	vst v0  }
0x1b: {  	[tilespmem:$0x1910] =	vst v0  }
0x1c: {  	[tilespmem:$0x1920] =	vst v0  }
0x1d: {  	[tilespmem:$0x1930] =	vst v0  }
0x1e: {  	[tilespmem:$0x1940] =	vst v0  }
0x1f: {  	[tilespmem:$0x1950] =	vst v0  }
0x20: {  	[tilespmem:$0x1960] =	vst v0  }
0x21: {  	[tilespmem:$0x1970] =	vst v0  }
0x22: {  	[tilespmem:$0x1980] =	vst v0  }
0x23: {  	[tilespmem:$0x1990] =	vst v0  }
0x24: {  	[tilespmem:$0x19A0] =	vst v0  }
0x25: {  	[tilespmem:$0x19B0] =	vst v0  }
0x26: {  	[tilespmem:$0x19C0] =	vst v0  }
0x27: {  	[tilespmem:$0x19D0] =	vst v0  }
0x28: {  	[tilespmem:$0x19E0] =	vst v0  }
0x29: {  	[tilespmem:$0x19F0] =	vst v0;
	v2 =	vld [tilespmem:$0x1A00]  }
0x2a: {  	v3 =	vld [tilespmem:s2+$0x0];
	_ =	sdelay $0x4  }
0x2b: {  	v3 =	vsub.f32 v3, v2;
	_ =	sdelay $0x1  }
0x2c: {  	v3 =	vmul.f32 $1.442695020e+00, v3;
	_ =	sdelay $0x1  }
0x2d: {  	(erf) = vpow2.f32 v3;
	_ =	sdelay $0x1  }
0x2e: {  	v3 =	vld [tilespmem:s14+$0x0]  }
0x2f: {  	v4 =	vmov s2  }
0x30: {  	vm0 =	vlt.u32 v4, v1;
	_ =	sdelay $0x4  }
0x31: {  	v4 =	vpop (erf)  }
0x32: {  	s15 =	simm.s32 $0x10;
	[tilespmem:v3+s12+$0x0] =	vst.idx.add.f32.msk vm0, v4  }
0x33: {  	s16 =	simm.s32 $0x20;
	s17 =	simm.s32 $0x10;
	v3 =	vld [tilespmem:s15+$0x0]  }
.LBB2_2:
0x34: {  	p0 =	sne.s32 s16, $0xC30;
	_ =	sdelay $0x3  }
0x35: {  	v3 =	vsub.f32 v3, v2;
	_ =	sdelay $0x1  }
0x36: {  	v3 =	vmul.f32 $1.442695020e+00, v3;
	_ =	sdelay $0x1  }
0x37: {  	(erf) = vpow2.f32 v3  }
0x38: {  	s14 =	sadd.s32 $0x10, s14  }
0x39: {  	v3 =	vld [tilespmem:s14+$0x0]  }
0x3a: {  	v4 =	vmov s15;
	s15 =	smov.u32 s16  }
0x3b: {  	vm0 =	vlt.u32 v4, v1;
	_ =	sdelay $0x2  }
.Ltmp0:
0x3c: {  	(pc) =	sbr.rel @p0 .LBB2_2-.Ltmp0, $4  }
0x3d: {  	_ = 	snop  }
0x3e: {  	v4 =	vpop (erf)  }
0x3f: {  	s17 =	sadd.s32 $0x10, s17;
	[tilespmem:v3+s12+$0x0] =	vst.idx.add.f32.msk vm0, v4  }
0x40: {  	s16 =	sadd.s32 $0x10, s16;
	v3 =	vld [tilespmem:s17+$0x0]  }
0x41: {  	_ =	sdelay $0x3  }
0x42: {  	v2 =	vsub.f32 v3, v2;
	_ =	sdelay $0x1  }
0x43: {  	v2 =	vmul.f32 $1.442695020e+00, v2;
	_ =	sdelay $0x1  }
0x44: {  	(erf) = vpow2.f32 v2  }
0x45: {  	s14 =	sadd.s32 $0x10, s14  }
0x46: {  	v2 =	vld [tilespmem:s14+$0x0]  }
0x47: {  	v3 =	vmov s15  }
0x48: {  	vm0 =	vlt.u32 v3, v1;
	_ =	sdelay $0x3  }
0x49: {  	s13 =	sadd.s32 $0x1, s13  }
0x4a: {  	p0 =	sne.s32 s13, s7;
	v3 =	vpop (erf)  }
.Ltmp1:
0x4b: {  	[tilespmem:v2+s12+$0x0] =	vst.idx.add.f32.msk vm0, v3;
	(pc) =	sbr.rel @p0 .LBB2_1-.Ltmp1, $4  }
0x4c: {  	[hbm4b:s6+s8] =	stream.strided.scatter [tilespmem:s12], [sflag:$0x1], $0x100, s9, s8, $0x38;
	[tilespmem:$0x1A80] =	vst v63  }
0x4d: {  	_ =	swait.ge [sflag:s10], $0x100  }
0x4e: {  	[sflag:s10] =	ssyncset.done $0x0  }
0x4f: {  	[sflag:s10] =	ssyncadd.s32 $0xFFFFFF00  }
0x50: {  	_ =	sfence.sel $0x180000  }
0x51: {  	[bflag:$0x0] =	sbarrier.arrive $0xFFFF  }
0x52: {  	p0 =	sne.s32 s0, $0x0;
	_ =	strace $0x90000047  }
0x53: {  	s0 =	sadd.s32 @!p0 $0x100000, s1;
	[bflag:$0x2] =	sbarrier.arrive $0xFFFF  }
0x54: {  	[sflag:s0] =	ssyncadd.tile.s32 @!p0 $0x1;
	_ =	shalt  }
.Lfunc_end2:
_tile_overlayer_lowered:
.L_overlay_start_2:
0x55: {  	(tag) =	ssettag $0x2  }
0x56: {  	s0 =	rddreg [dreg:$0x0];
	s2 =	stileid.u32  }
0x57: {  	s1 =	rddreg [dreg:$0x1];
	p0 =	sne.s32 s2, $0x0  }
0x58: {  	s3 =	rddreg [dreg:$0x2];
	[bflag:$0x3] =	sbarrier.arrive $0xFFFF;
	s2 =	simm.s32 @!p0 $0x1C01  }
0x59: {  	[timem:s3], [sflag:s2] =	dma.local @!p0 [hbm:s0], s1  }
0x5a: {  	s0 =	simm.s32 @!p0 $0x1  }
0x5b: {  	_ =	swait.ge @!p0 [sflag:s0], s1  }
0x5c: {  	s1 =	ssub.s32 @!p0 $0x0, s1;
	[sflag:s0] =	ssyncset.done @!p0 $0x0  }
0x5d: {  	[sflag:s0] =	ssyncadd.s32 @!p0 s1  }
0x5e: {  	[bflag:$0x3] =	sbarrier.arrive $0xFFFF  }
0x5f: {  	_ =	shalt  }

</sc_bundles>
